<compile_context>
chip_gen: v7x
topology: tpu7x:2x2x1
jax: 0.10.2.dev20260603
libtpu: 0.0.44.dev20260713+nightly
codegen_flags: <defaults>
</compile_context>

<pallas_src>
import functools

import jax
import jax.numpy as jnp
from jax import lax
from jax.experimental import pallas as pl
from jax.experimental.pallas import tpu as pltpu
from jax.experimental.pallas import tpu_sc as plsc

H = 128
W = 128
N = H * W
NW = 32
CHUNK = N // NW
L = 16


def _ifloor(x):
    t = x.astype(jnp.int32)
    return t - (t.astype(jnp.float32) > x).astype(jnp.int32)


_mesh = plsc.VectorSubcoreMesh(core_axis_name="c", subcore_axis_name="s")


@functools.partial(
    pl.kernel,
    mesh=_mesh,
    compiler_params=pltpu.CompilerParams(needs_layout_passes=False),
    out_type=jax.ShapeDtypeStruct((N,), jnp.float32),
    scratch_types=[
        pltpu.VMEM((N,), jnp.float32),
        pltpu.VMEM((CHUNK,), jnp.float32),
        pltpu.VMEM((CHUNK,), jnp.float32),
        pltpu.VMEM((CHUNK,), jnp.float32),
        pltpu.VMEM((4, CHUNK), jnp.int32),
        pltpu.VMEM((4, CHUNK), jnp.float32),
        pltpu.VMEM_SHARED((N,), jnp.float32),
        pltpu.SemaphoreType.DMA,
        pltpu.SemaphoreType.DMA,
    ],
)
def _warp(img_hbm, disp_hbm, out_hbm, img_v, dh_v, dw_v, out_v, idx_v, wgt_v,
          img_s, sem, dsem):
    sid = lax.axis_index("s")
    wid = sid * 2 + lax.axis_index("c")
    base = wid * CHUNK

    @pl.when(sid == 0)
    def _():
        pltpu.make_async_copy(img_hbm, img_s, sem).start()

    dh_cp = pltpu.async_copy(disp_hbm.at[pl.ds(base, CHUNK)], dh_v, dsem)
    dw_cp = pltpu.async_copy(disp_hbm.at[pl.ds(N + base, CHUNK)], dw_v, dsem)

    @pl.when(sid == 0)
    def _():
        pltpu.make_async_copy(img_hbm, img_s, sem).wait()

    plsc.subcore_barrier()
    fan_cp = pltpu.async_copy(img_s, img_v, sem)
    dh_cp.wait()
    dw_cp.wait()

    lane = lax.broadcasted_iota(jnp.int32, (L,), 0)
    row0f = jnp.broadcast_to(wid * (CHUNK // W), (L,)).astype(jnp.float32)
    zero = jnp.float32(0.0)
    one = jnp.float32(1.0)

    @plsc.parallel_loop(0, CHUNK, step=L, unroll=1)
    def prep(off):
        row_off = jnp.broadcast_to(off // W + 1, (L,))
        hu = dh_v[pl.ds(off, L)] + row0f + row_off.astype(jnp.float32)
        wu = dw_v[pl.ds(off, L)] + (lane + (off % W + 1)).astype(jnp.float32)
        hf_u = _ifloor(hu)
        wf_u = _ifloor(wu)
        hm = hf_u - 1
        wm = wf_u - 1
        ihf = jnp.clip(hm, 0, H - 1) * W
        ihc = jnp.clip(hf_u, 0, H - 1) * W
        iwf = jnp.clip(wm, 0, W - 1)
        iwc = jnp.clip(wf_u, 0, W - 1)
        vhf = hm.astype(jnp.uint32) < jnp.uint32(H)
        vhc = hf_u.astype(jnp.uint32) < jnp.uint32(H)
        vwf = wm.astype(jnp.uint32) < jnp.uint32(W)
        vwc = wf_u.astype(jnp.uint32) < jnp.uint32(W)
        d_h = jnp.clip(hf_u + 1, 0, H + 1).astype(jnp.float32) - hu
        d_w = jnp.clip(wf_u + 1, 0, W + 1).astype(jnp.float32) - wu
        ah0 = jnp.where(vhf, d_h, zero)
        ah1 = jnp.where(vhc, one - d_h, zero)
        aw0 = jnp.where(vwf, d_w, zero)
        aw1 = jnp.where(vwc, one - d_w, zero)
        idx_v[0, pl.ds(off, L)] = ihf + iwf
        idx_v[1, pl.ds(off, L)] = ihc + iwf
        idx_v[2, pl.ds(off, L)] = ihf + iwc
        idx_v[3, pl.ds(off, L)] = ihc + iwc
        wgt_v[0, pl.ds(off, L)] = aw0 * ah0
        wgt_v[1, pl.ds(off, L)] = aw0 * ah1
        wgt_v[2, pl.ds(off, L)] = aw1 * ah0
        wgt_v[3, pl.ds(off, L)] = aw1 * ah1

    fan_cp.wait()

    @plsc.parallel_loop(0, CHUNK, step=L, unroll=1)
    def blend(off):
        acc = (plsc.load_gather(img_v, [idx_v[0, pl.ds(off, L)]])
               * wgt_v[0, pl.ds(off, L)])
        acc += (plsc.load_gather(img_v, [idx_v[1, pl.ds(off, L)]])
                * wgt_v[1, pl.ds(off, L)])
        acc += (plsc.load_gather(img_v, [idx_v[2, pl.ds(off, L)]])
                * wgt_v[2, pl.ds(off, L)])
        acc += (plsc.load_gather(img_v, [idx_v[3, pl.ds(off, L)]])
                * wgt_v[3, pl.ds(off, L)])
        out_v[pl.ds(off, L)] = acc

    pltpu.sync_copy(out_v, out_hbm.at[pl.ds(base, CHUNK)])


def kernel(input1, input2):
    img = input1.reshape(N)
    disp = input2.reshape(2 * N)
    out = _warp(img, disp)
    return out.reshape(1, 1, H, W)

# --- scband reference (transcript-rebuilt; emitter-appended) ---
"""Pipeline reference for scband-dense3-dspatial-transformer-11630771437796 (READ-ONLY COPY).

The authoritative reference and input builder live on the scoring server;
editing this copy changes nothing except your own understanding.
"""

import jax, jax.numpy as jnp
import numpy as np

HGT = 128
WDT = 128

def setup_inputs(seed: int = 0) -> dict:
    key = jax.random.key(seed)
    k1, k2 = jax.random.split(key)
    input1 = jax.random.uniform(k1, (1, 1, HGT, WDT), dtype=jnp.float32)
    input2 = jax.random.normal(k2, (1, 2, HGT, WDT), dtype=jnp.float32)
    return {"input1": input1, "input2": input2}

def reference(input1, input2):
    hgt, wdt = HGT, WDT
    nbatch, nch, height, width = 1, 1, 128, 128
    # meshgrid
    h_t = jnp.matmul(jnp.linspace(0.0, hgt - 1.0, hgt).reshape(hgt, 1), jnp.ones((1, wdt)))
    w_t = jnp.matmul(jnp.ones((hgt, 1)), jnp.linspace(0.0, wdt - 1.0, wdt).reshape(1, wdt))
    H_mesh = jnp.broadcast_to(h_t[None, :, :], (nbatch, hgt, wdt))
    W_mesh = jnp.broadcast_to(w_t[None, :, :], (nbatch, hgt, wdt))
    H_upmesh = input2[:, 0] + H_mesh
    W_upmesh = input2[:, 1] + W_mesh
    # interpolate with 1-pixel zero padding
    img = jnp.zeros((nbatch, nch, height + 2, width + 2), dtype=jnp.float32)
    img = img.at[:, :, 1:-1, 1:-1].set(input1)
    imgHgt = img.shape[2]
    imgWdt = img.shape[3]
    H_up = H_upmesh.reshape(-1).astype(jnp.float32) + 1.0
    W_up = W_upmesh.reshape(-1).astype(jnp.float32) + 1.0
    hf = jnp.floor(H_up).astype(jnp.int32)
    hc = hf + 1
    wf = jnp.floor(W_up).astype(jnp.int32)
    wc = wf + 1
    hf = jnp.clip(hf, 0, imgHgt - 1)
    hc = jnp.clip(hc, 0, imgHgt - 1)
    wf = jnp.clip(wf, 0, imgWdt - 1)
    wc = jnp.clip(wc, 0, imgWdt - 1)
    bDHW = jnp.zeros((height * width,), dtype=jnp.int32)  # nbatch == 1
    W = imgWdt
    idx_000 = bDHW + hf * W + wf
    idx_010 = bDHW + hc * W + wf
    idx_001 = bDHW + hf * W + wc
    idx_011 = bDHW + hc * W + wc
    img_flat = img.reshape(-1, nch).astype(jnp.float32)
    val_000 = jnp.take(img_flat, idx_000, axis=0)
    val_010 = jnp.take(img_flat, idx_010, axis=0)
    val_001 = jnp.take(img_flat, idx_001, axis=0)
    val_011 = jnp.take(img_flat, idx_011, axis=0)
    dHeight = hc.astype(jnp.float32) - H_up
    dWidth = wc.astype(jnp.float32) - W_up
    wgt_000 = (dWidth * dHeight)[:, None]
    wgt_010 = (dWidth * (1 - dHeight))[:, None]
    wgt_001 = ((1 - dWidth) * dHeight)[:, None]
    wgt_011 = ((1 - dWidth) * (1 - dHeight))[:, None]
    output = val_000 * wgt_000 + val_010 * wgt_010 + val_001 * wgt_001 + val_011 * wgt_011
    output = output.reshape(nbatch, height, width, nch).transpose(0, 3, 1, 2)
    return output

if __name__ == "__main__":
    import jax
    _d = setup_inputs()
    print(jax.jit(kernel)(*tuple(_d.values())))

</pallas_src>

<mosaic_0001>
#map = affine_map<(d0, d1) -> (0)>
module attributes {stable_mosaic.version = 14 : i64} {
  func.func @_warp(%arg0: i32, %arg1: i32, %arg2: memref<16384xf32, #tpu.memory_space<hbm>>, %arg3: memref<32768xf32, #tpu.memory_space<hbm>>, %arg4: memref<16384xf32, #tpu.memory_space<hbm>>, %arg5: memref<16384xf32, #tpu.memory_space<vmem>>, %arg6: memref<512xf32, #tpu.memory_space<vmem>>, %arg7: memref<512xf32, #tpu.memory_space<vmem>>, %arg8: memref<512xf32, #tpu.memory_space<vmem>>, %arg9: memref<4x512xi32, #tpu.memory_space<vmem>>, %arg10: memref<4x512xf32, #tpu.memory_space<vmem>>, %arg11: memref<16384xf32, #tpu.memory_space<vmem_shared>>, %arg12: memref<!tpu.dma_semaphore, #tpu.memory_space<semaphore_mem>>, %arg13: memref<!tpu.dma_semaphore, #tpu.memory_space<semaphore_mem>>) attributes {dimension_semantics = [#tpu.dimension_semantics<core_parallel>, #tpu.dimension_semantics<subcore_parallel>], iteration_bounds = array<i64: 2, 16>, scalar_prefetch = 0 : i64, scratch_operands = 9 : i64, tpu.core_type = #tpu.core_type<sc_vector_subcore>, window_params = [{transform_indices = #map}, {transform_indices = #map}, {transform_indices = #map}]} {
    %mul3A = arith.constant 2 : i32
    %mul3A_0 = arith.muli %arg1, %mul3A : i32
    %add3A = arith.addi %mul3A_0, %arg0 : i32
    %mul3A_1 = arith.constant 512 : i32
    %mul3A_2 = arith.muli %add3A, %mul3A_1 : i32
    %eq3A = arith.constant 0 : i32
    %eq3A_3 = arith.cmpi eq, %arg1, %eq3A : i32
    %convert_element_type3A = arith.extui %eq3A_3 : i1 to i32
    %cond3A = arith.constant 0 : i32
    %cond3A_4 = arith.cmpi ne, %convert_element_type3A, %cond3A : i32
    scf.if %cond3A_4 {
      tpu.enqueue_dma source(%arg2 : memref<16384xf32, #tpu.memory_space<hbm>>) target(%arg11 : memref<16384xf32, #tpu.memory_space<vmem_shared>>) target_semaphore(%arg12 : memref<!tpu.dma_semaphore, #tpu.memory_space<semaphore_mem>>)
    } else {
    }
    %dma_start3A = tpu.memref_slice %arg3[%mul3A_2] : memref<32768xf32, #tpu.memory_space<hbm>> -> memref<512xf32, #tpu.memory_space<hbm>>
    %dma_start3A_5 = tpu.memref_slice %arg3[%mul3A_2] : memref<32768xf32, #tpu.memory_space<hbm>> -> memref<512xf32, #tpu.memory_space<hbm>>
    tpu.enqueue_dma source(%dma_start3A_5 : memref<512xf32, #tpu.memory_space<hbm>>) target(%arg6 : memref<512xf32, #tpu.memory_space<vmem>>) target_semaphore(%arg13 : memref<!tpu.dma_semaphore, #tpu.memory_space<semaphore_mem>>)
    %add3A_6 = arith.constant 16384 : i32
    %add3A_7 = arith.addi %add3A_6, %mul3A_2 : i32
    %dma_start3A_8 = tpu.memref_slice %arg3[%add3A_7] : memref<32768xf32, #tpu.memory_space<hbm>> -> memref<512xf32, #tpu.memory_space<hbm>>
    %dma_start3A_9 = tpu.memref_slice %arg3[%add3A_7] : memref<32768xf32, #tpu.memory_space<hbm>> -> memref<512xf32, #tpu.memory_space<hbm>>
    tpu.enqueue_dma source(%dma_start3A_9 : memref<512xf32, #tpu.memory_space<hbm>>) target(%arg7 : memref<512xf32, #tpu.memory_space<vmem>>) target_semaphore(%arg13 : memref<!tpu.dma_semaphore, #tpu.memory_space<semaphore_mem>>)
    %eq3A_10 = arith.constant 0 : i32
    %eq3A_11 = arith.cmpi eq, %arg1, %eq3A_10 : i32
    %convert_element_type3A_12 = arith.extui %eq3A_11 : i1 to i32
    %cond3A_13 = arith.constant 0 : i32
    %cond3A_14 = arith.cmpi ne, %convert_element_type3A_12, %cond3A_13 : i32
    scf.if %cond3A_14 {
      tpu.wait_dma2 semaphore(%arg12 : memref<!tpu.dma_semaphore, #tpu.memory_space<semaphore_mem>>) src(%arg2 : memref<16384xf32, #tpu.memory_space<hbm>>) dst(%arg11 : memref<16384xf32, #tpu.memory_space<vmem_shared>>)
    } else {
    }
    %barrier3A = arith.constant 0 : index
    tpu.barrier barrier_id(%barrier3A)
    tpu.enqueue_dma source(%arg11 : memref<16384xf32, #tpu.memory_space<vmem_shared>>) target(%arg5 : memref<16384xf32, #tpu.memory_space<vmem>>) target_semaphore(%arg12 : memref<!tpu.dma_semaphore, #tpu.memory_space<semaphore_mem>>)
    %dma_wait3A = tpu.memref_slice %arg3[%mul3A_2] : memref<32768xf32, #tpu.memory_space<hbm>> -> memref<512xf32, #tpu.memory_space<hbm>>
    %dma_wait3A_15 = tpu.memref_slice %arg3[%mul3A_2] : memref<32768xf32, #tpu.memory_space<hbm>> -> memref<512xf32, #tpu.memory_space<hbm>>
    tpu.wait_dma2 semaphore(%arg13 : memref<!tpu.dma_semaphore, #tpu.memory_space<semaphore_mem>>) src(%dma_wait3A_15 : memref<512xf32, #tpu.memory_space<hbm>>) dst(%arg6 : memref<512xf32, #tpu.memory_space<vmem>>)
    %dma_wait3A_16 = tpu.memref_slice %arg3[%add3A_7] : memref<32768xf32, #tpu.memory_space<hbm>> -> memref<512xf32, #tpu.memory_space<hbm>>
    %dma_wait3A_17 = tpu.memref_slice %arg3[%add3A_7] : memref<32768xf32, #tpu.memory_space<hbm>> -> memref<512xf32, #tpu.memory_space<hbm>>
    tpu.wait_dma2 semaphore(%arg13 : memref<!tpu.dma_semaphore, #tpu.memory_space<semaphore_mem>>) src(%dma_wait3A_17 : memref<512xf32, #tpu.memory_space<hbm>>) dst(%arg7 : memref<512xf32, #tpu.memory_space<vmem>>)
    %iota3A = tpu.iota {dimensions = array<i32: 0>} : vector<16xi32>
    %mul3A_18 = arith.constant 4 : i32
    %mul3A_19 = arith.muli %add3A, %mul3A_18 : i32
    %broadcast_in_dim3A = vector.broadcast %mul3A_19 : i32 to vector<16xi32>
    %convert_element_type3A_20 = arith.sitofp %broadcast_in_dim3A : vector<16xi32> to vector<16xf32>
    %parallel_loop3A = arith.constant 0 : i32
    %parallel_loop3A_21 = arith.constant 512 : i32
    %parallel_loop3A_22 = arith.constant 16 : i32
    %parallel_loop3A_23 = arith.constant 0.000000e+00 : f32
    %parallel_loop3A_24 = arith.constant 1.000000e+00 : f32
    scf.for %parallel_loop3A_28 = %parallel_loop3A to %parallel_loop3A_21 step %parallel_loop3A_22  : i32 {
      %parallel_loop3A_29 = arith.constant 128 : i32
      %parallel_loop3A_30 = arith.divsi %parallel_loop3A_28, %parallel_loop3A_29 : i32
      %parallel_loop3A_31 = arith.constant 0 : i32
      %parallel_loop3A_32 = arith.cmpi sgt, %parallel_loop3A_28, %parallel_loop3A_31 : i32
      %parallel_loop3A_33 = arith.extui %parallel_loop3A_32 : i1 to i32
      %parallel_loop3A_34 = arith.constant 0 : i32
      %parallel_loop3A_35 = arith.cmpi slt, %parallel_loop3A_28, %parallel_loop3A_34 : i32
      %parallel_loop3A_36 = arith.extui %parallel_loop3A_35 : i1 to i32
      %parallel_loop3A_37 = arith.subi %parallel_loop3A_33, %parallel_loop3A_36 : i32
      %parallel_loop3A_38 = arith.constant 0 : i32
      %parallel_loop3A_39 = arith.cmpi sgt, %parallel_loop3A_29, %parallel_loop3A_38 : i32
      %parallel_loop3A_40 = arith.extui %parallel_loop3A_39 : i1 to i32
      %parallel_loop3A_41 = arith.constant 0 : i32
      %parallel_loop3A_42 = arith.cmpi slt, %parallel_loop3A_29, %parallel_loop3A_41 : i32
      %parallel_loop3A_43 = arith.extui %parallel_loop3A_42 : i1 to i32
      %parallel_loop3A_44 = arith.subi %parallel_loop3A_40, %parallel_loop3A_43 : i32
      %parallel_loop3A_45 = arith.cmpi ne, %parallel_loop3A_37, %parallel_loop3A_44 : i32
      %parallel_loop3A_46 = arith.remsi %parallel_loop3A_28, %parallel_loop3A_29 : i32
      %parallel_loop3A_47 = arith.constant 0 : i32
      %parallel_loop3A_48 = arith.cmpi ne, %parallel_loop3A_46, %parallel_loop3A_47 : i32
      %parallel_loop3A_49 = arith.andi %parallel_loop3A_45, %parallel_loop3A_48 : i1
      %parallel_loop3A_50 = arith.constant 1 : i32
      %parallel_loop3A_51 = arith.subi %parallel_loop3A_30, %parallel_loop3A_50 : i32
      %parallel_loop3A_52 = arith.select %parallel_loop3A_49, %parallel_loop3A_51, %parallel_loop3A_30 : i32
      %parallel_loop3A_53 = arith.constant 1 : i32
      %parallel_loop3A_54 = arith.addi %parallel_loop3A_52, %parallel_loop3A_53 : i32
      %parallel_loop3A_55 = vector.broadcast %parallel_loop3A_54 : i32 to vector<16xi32>
      %parallel_loop3A_56 = arith.index_cast %parallel_loop3A_28 : i32 to index
      %parallel_loop3A_57 = tpu.vector_load %arg6[%parallel_loop3A_56] {strides = array<i32>} : memref<512xf32, #tpu.memory_space<vmem>>, vector<16xf32>,
      %parallel_loop3A_58 = arith.addf %parallel_loop3A_57, %convert_element_type3A_20 : vector<16xf32>
      %parallel_loop3A_59 = arith.sitofp %parallel_loop3A_55 : vector<16xi32> to vector<16xf32>
      %parallel_loop3A_60 = arith.addf %parallel_loop3A_58, %parallel_loop3A_59 : vector<16xf32>
      %parallel_loop3A_61 = arith.index_cast %parallel_loop3A_28 : i32 to index
      %parallel_loop3A_62 = tpu.vector_load %arg7[%parallel_loop3A_61] {strides = array<i32>} : memref<512xf32, #tpu.memory_space<vmem>>, vector<16xf32>,
      %parallel_loop3A_63 = arith.constant 128 : i32
      %parallel_loop3A_64 = arith.constant 0 : i32
      %parallel_loop3A_65 = arith.cmpi eq, %parallel_loop3A_63, %parallel_loop3A_64 : i32
      %parallel_loop3A_66 = arith.constant 1 : i32
      %parallel_loop3A_67 = arith.select %parallel_loop3A_65, %parallel_loop3A_66, %parallel_loop3A_63 : i32
      %parallel_loop3A_68 = arith.remsi %parallel_loop3A_28, %parallel_loop3A_67 : i32
      %parallel_loop3A_69 = arith.constant 0 : i32
      %parallel_loop3A_70 = arith.cmpi ne, %parallel_loop3A_68, %parallel_loop3A_69 : i32
      %parallel_loop3A_71 = arith.constant 0 : i32
      %parallel_loop3A_72 = arith.cmpi slt, %parallel_loop3A_68, %parallel_loop3A_71 : i32
      %parallel_loop3A_73 = arith.constant 0 : i32
      %parallel_loop3A_74 = arith.cmpi slt, %parallel_loop3A_67, %parallel_loop3A_73 : i32
      %parallel_loop3A_75 = arith.xori %parallel_loop3A_72, %parallel_loop3A_74 : i1
      %parallel_loop3A_76 = arith.andi %parallel_loop3A_75, %parallel_loop3A_70 : i1
      %parallel_loop3A_77 = arith.addi %parallel_loop3A_68, %parallel_loop3A_67 : i32
      %parallel_loop3A_78 = arith.select %parallel_loop3A_76, %parallel_loop3A_77, %parallel_loop3A_68 : i32
      %parallel_loop3A_79 = arith.constant 1 : i32
      %parallel_loop3A_80 = arith.addi %parallel_loop3A_78, %parallel_loop3A_79 : i32
      %parallel_loop3A_81 = vector.broadcast %parallel_loop3A_80 : i32 to vector<16xi32>
      %parallel_loop3A_82 = arith.addi %iota3A, %parallel_loop3A_81 : vector<16xi32>
      %parallel_loop3A_83 = arith.sitofp %parallel_loop3A_82 : vector<16xi32> to vector<16xf32>
      %parallel_loop3A_84 = arith.addf %parallel_loop3A_62, %parallel_loop3A_83 : vector<16xf32>
      %parallel_loop3A_85 = arith.fptosi %parallel_loop3A_60 : vector<16xf32> to vector<16xi32>
      %parallel_loop3A_86 = arith.sitofp %parallel_loop3A_85 : vector<16xi32> to vector<16xf32>
      %parallel_loop3A_87 = arith.cmpf ogt, %parallel_loop3A_86, %parallel_loop3A_60 : vector<16xf32>
      %parallel_loop3A_88 = arith.extui %parallel_loop3A_87 : vector<16xi1> to vector<16xi32>
      %parallel_loop3A_89 = arith.subi %parallel_loop3A_85, %parallel_loop3A_88 : vector<16xi32>
      %parallel_loop3A_90 = arith.fptosi %parallel_loop3A_84 : vector<16xf32> to vector<16xi32>
      %parallel_loop3A_91 = arith.sitofp %parallel_loop3A_90 : vector<16xi32> to vector<16xf32>
      %parallel_loop3A_92 = arith.cmpf ogt, %parallel_loop3A_91, %parallel_loop3A_84 : vector<16xf32>
      %parallel_loop3A_93 = arith.extui %parallel_loop3A_92 : vector<16xi1> to vector<16xi32>
      %parallel_loop3A_94 = arith.subi %parallel_loop3A_90, %parallel_loop3A_93 : vector<16xi32>
      %parallel_loop3A_95 = arith.constant 1 : i32
      %parallel_loop3A_96 = vector.broadcast %parallel_loop3A_95 : i32 to vector<16xi32>
      %parallel_loop3A_97 = arith.subi %parallel_loop3A_89, %parallel_loop3A_96 : vector<16xi32>
      %parallel_loop3A_98 = arith.constant 1 : i32
      %parallel_loop3A_99 = vector.broadcast %parallel_loop3A_98 : i32 to vector<16xi32>
      %parallel_loop3A_100 = arith.subi %parallel_loop3A_94, %parallel_loop3A_99 : vector<16xi32>
      %parallel_loop3A_101 = arith.constant 0 : i32
      %parallel_loop3A_102 = arith.constant 127 : i32
      %parallel_loop3A_103 = vector.broadcast %parallel_loop3A_101 : i32 to vector<16xi32>
      %parallel_loop3A_104 = arith.maxsi %parallel_loop3A_103, %parallel_loop3A_97 : vector<16xi32>
      %parallel_loop3A_105 = vector.broadcast %parallel_loop3A_102 : i32 to vector<16xi32>
      %parallel_loop3A_106 = arith.minsi %parallel_loop3A_105, %parallel_loop3A_104 : vector<16xi32>
      %parallel_loop3A_107 = arith.constant 128 : i32
      %parallel_loop3A_108 = vector.broadcast %parallel_loop3A_107 : i32 to vector<16xi32>
      %parallel_loop3A_109 = arith.muli %parallel_loop3A_106, %parallel_loop3A_108 : vector<16xi32>
      %parallel_loop3A_110 = arith.constant 0 : i32
      %parallel_loop3A_111 = arith.constant 127 : i32
      %parallel_loop3A_112 = vector.broadcast %parallel_loop3A_110 : i32 to vector<16xi32>
      %parallel_loop3A_113 = arith.maxsi %parallel_loop3A_112, %parallel_loop3A_89 : vector<16xi32>
      %parallel_loop3A_114 = vector.broadcast %parallel_loop3A_111 : i32 to vector<16xi32>
      %parallel_loop3A_115 = arith.minsi %parallel_loop3A_114, %parallel_loop3A_113 : vector<16xi32>
      %parallel_loop3A_116 = arith.constant 128 : i32
      %parallel_loop3A_117 = vector.broadcast %parallel_loop3A_116 : i32 to vector<16xi32>
      %parallel_loop3A_118 = arith.muli %parallel_loop3A_115, %parallel_loop3A_117 : vector<16xi32>
      %parallel_loop3A_119 = arith.constant 0 : i32
      %parallel_loop3A_120 = arith.constant 127 : i32
      %parallel_loop3A_121 = vector.broadcast %parallel_loop3A_119 : i32 to vector<16xi32>
      %parallel_loop3A_122 = arith.maxsi %parallel_loop3A_121, %parallel_loop3A_100 : vector<16xi32>
      %parallel_loop3A_123 = vector.broadcast %parallel_loop3A_120 : i32 to vector<16xi32>
      %parallel_loop3A_124 = arith.minsi %parallel_loop3A_123, %parallel_loop3A_122 : vector<16xi32>
      %parallel_loop3A_125 = arith.constant 0 : i32
      %parallel_loop3A_126 = arith.constant 127 : i32
      %parallel_loop3A_127 = vector.broadcast %parallel_loop3A_125 : i32 to vector<16xi32>
      %parallel_loop3A_128 = arith.maxsi %parallel_loop3A_127, %parallel_loop3A_94 : vector<16xi32>
      %parallel_loop3A_129 = vector.broadcast %parallel_loop3A_126 : i32 to vector<16xi32>
      %parallel_loop3A_130 = arith.minsi %parallel_loop3A_129, %parallel_loop3A_128 : vector<16xi32>
      %parallel_loop3A_131 = arith.constant 128 : i32
      %parallel_loop3A_132 = vector.broadcast %parallel_loop3A_131 : i32 to vector<16xi32>
      %parallel_loop3A_133 = arith.cmpi ult, %parallel_loop3A_97, %parallel_loop3A_132 : vector<16xi32>
      %parallel_loop3A_134 = arith.constant 128 : i32
      %parallel_loop3A_135 = vector.broadcast %parallel_loop3A_134 : i32 to vector<16xi32>
      %parallel_loop3A_136 = arith.cmpi ult, %parallel_loop3A_89, %parallel_loop3A_135 : vector<16xi32>
      %parallel_loop3A_137 = arith.constant 128 : i32
      %parallel_loop3A_138 = vector.broadcast %parallel_loop3A_137 : i32 to vector<16xi32>
      %parallel_loop3A_139 = arith.cmpi ult, %parallel_loop3A_100, %parallel_loop3A_138 : vector<16xi32>
      %parallel_loop3A_140 = arith.constant 128 : i32
      %parallel_loop3A_141 = vector.broadcast %parallel_loop3A_140 : i32 to vector<16xi32>
      %parallel_loop3A_142 = arith.cmpi ult, %parallel_loop3A_94, %parallel_loop3A_141 : vector<16xi32>
      %parallel_loop3A_143 = arith.constant 1 : i32
      %parallel_loop3A_144 = vector.broadcast %parallel_loop3A_143 : i32 to vector<16xi32>
      %parallel_loop3A_145 = arith.addi %parallel_loop3A_89, %parallel_loop3A_144 : vector<16xi32>
      %parallel_loop3A_146 = arith.constant 0 : i32
      %parallel_loop3A_147 = arith.constant 129 : i32
      %parallel_loop3A_148 = vector.broadcast %parallel_loop3A_146 : i32 to vector<16xi32>
      %parallel_loop3A_149 = arith.maxsi %parallel_loop3A_148, %parallel_loop3A_145 : vector<16xi32>
      %parallel_loop3A_150 = vector.broadcast %parallel_loop3A_147 : i32 to vector<16xi32>
      %parallel_loop3A_151 = arith.minsi %parallel_loop3A_150, %parallel_loop3A_149 : vector<16xi32>
      %parallel_loop3A_152 = arith.sitofp %parallel_loop3A_151 : vector<16xi32> to vector<16xf32>
      %parallel_loop3A_153 = arith.subf %parallel_loop3A_152, %parallel_loop3A_60 : vector<16xf32>
      %parallel_loop3A_154 = arith.constant 1 : i32
      %parallel_loop3A_155 = vector.broadcast %parallel_loop3A_154 : i32 to vector<16xi32>
      %parallel_loop3A_156 = arith.addi %parallel_loop3A_94, %parallel_loop3A_155 : vector<16xi32>
      %parallel_loop3A_157 = arith.constant 0 : i32
      %parallel_loop3A_158 = arith.constant 129 : i32
      %parallel_loop3A_159 = vector.broadcast %parallel_loop3A_157 : i32 to vector<16xi32>
      %parallel_loop3A_160 = arith.maxsi %parallel_loop3A_159, %parallel_loop3A_156 : vector<16xi32>
      %parallel_loop3A_161 = vector.broadcast %parallel_loop3A_158 : i32 to vector<16xi32>
      %parallel_loop3A_162 = arith.minsi %parallel_loop3A_161, %parallel_loop3A_160 : vector<16xi32>
      %parallel_loop3A_163 = arith.sitofp %parallel_loop3A_162 : vector<16xi32> to vector<16xf32>
      %parallel_loop3A_164 = arith.subf %parallel_loop3A_163, %parallel_loop3A_84 : vector<16xf32>
      %parallel_loop3A_165 = vector.broadcast %parallel_loop3A_23 : f32 to vector<16xf32>
      %parallel_loop3A_166 = arith.select %parallel_loop3A_133, %parallel_loop3A_153, %parallel_loop3A_165 : vector<16xi1>, vector<16xf32>
      %parallel_loop3A_167 = vector.broadcast %parallel_loop3A_24 : f32 to vector<16xf32>
      %parallel_loop3A_168 = arith.subf %parallel_loop3A_167, %parallel_loop3A_153 : vector<16xf32>
      %parallel_loop3A_169 = vector.broadcast %parallel_loop3A_23 : f32 to vector<16xf32>
      %parallel_loop3A_170 = arith.select %parallel_loop3A_136, %parallel_loop3A_168, %parallel_loop3A_169 : vector<16xi1>, vector<16xf32>
      %parallel_loop3A_171 = vector.broadcast %parallel_loop3A_23 : f32 to vector<16xf32>
      %parallel_loop3A_172 = arith.select %parallel_loop3A_139, %parallel_loop3A_164, %parallel_loop3A_171 : vector<16xi1>, vector<16xf32>
      %parallel_loop3A_173 = vector.broadcast %parallel_loop3A_24 : f32 to vector<16xf32>
      %parallel_loop3A_174 = arith.subf %parallel_loop3A_173, %parallel_loop3A_164 : vector<16xf32>
      %parallel_loop3A_175 = vector.broadcast %parallel_loop3A_23 : f32 to vector<16xf32>
      %parallel_loop3A_176 = arith.select %parallel_loop3A_142, %parallel_loop3A_174, %parallel_loop3A_175 : vector<16xi1>, vector<16xf32>
      %parallel_loop3A_177 = arith.addi %parallel_loop3A_109, %parallel_loop3A_124 : vector<16xi32>
      %parallel_loop3A_178 = arith.constant 0 : i32
      %parallel_loop3A_179 = arith.index_cast %parallel_loop3A_178 : i32 to index
      %parallel_loop3A_180 = arith.index_cast %parallel_loop3A_28 : i32 to index
      %parallel_loop3A_181 = tpu.vector_load %arg9[%parallel_loop3A_179, %parallel_loop3A_180] {strides = array<i32>} : memref<4x512xi32, #tpu.memory_space<vmem>>, vector<16xi32>,
      tpu.vector_store %arg9[%parallel_loop3A_179, %parallel_loop3A_180], %parallel_loop3A_177 {strides = array<i32>} : memref<4x512xi32, #tpu.memory_space<vmem>>, vector<16xi32>,
      %parallel_loop3A_182 = arith.addi %parallel_loop3A_118, %parallel_loop3A_124 : vector<16xi32>
      %parallel_loop3A_183 = arith.constant 1 : i32
      %parallel_loop3A_184 = arith.index_cast %parallel_loop3A_183 : i32 to index
      %parallel_loop3A_185 = arith.index_cast %parallel_loop3A_28 : i32 to index
      %parallel_loop3A_186 = tpu.vector_load %arg9[%parallel_loop3A_184, %parallel_loop3A_185] {strides = array<i32>} : memref<4x512xi32, #tpu.memory_space<vmem>>, vector<16xi32>,
      tpu.vector_store %arg9[%parallel_loop3A_184, %parallel_loop3A_185], %parallel_loop3A_182 {strides = array<i32>} : memref<4x512xi32, #tpu.memory_space<vmem>>, vector<16xi32>,
      %parallel_loop3A_187 = arith.addi %parallel_loop3A_109, %parallel_loop3A_130 : vector<16xi32>
      %parallel_loop3A_188 = arith.constant 2 : i32
      %parallel_loop3A_189 = arith.index_cast %parallel_loop3A_188 : i32 to index
      %parallel_loop3A_190 = arith.index_cast %parallel_loop3A_28 : i32 to index
      %parallel_loop3A_191 = tpu.vector_load %arg9[%parallel_loop3A_189, %parallel_loop3A_190] {strides = array<i32>} : memref<4x512xi32, #tpu.memory_space<vmem>>, vector<16xi32>,
      tpu.vector_store %arg9[%parallel_loop3A_189, %parallel_loop3A_190], %parallel_loop3A_187 {strides = array<i32>} : memref<4x512xi32, #tpu.memory_space<vmem>>, vector<16xi32>,
      %parallel_loop3A_192 = arith.addi %parallel_loop3A_118, %parallel_loop3A_130 : vector<16xi32>
      %parallel_loop3A_193 = arith.constant 3 : i32
      %parallel_loop3A_194 = arith.index_cast %parallel_loop3A_193 : i32 to index
      %parallel_loop3A_195 = arith.index_cast %parallel_loop3A_28 : i32 to index
      %parallel_loop3A_196 = tpu.vector_load %arg9[%parallel_loop3A_194, %parallel_loop3A_195] {strides = array<i32>} : memref<4x512xi32, #tpu.memory_space<vmem>>, vector<16xi32>,
      tpu.vector_store %arg9[%parallel_loop3A_194, %parallel_loop3A_195], %parallel_loop3A_192 {strides = array<i32>} : memref<4x512xi32, #tpu.memory_space<vmem>>, vector<16xi32>,
      %parallel_loop3A_197 = arith.mulf %parallel_loop3A_172, %parallel_loop3A_166 : vector<16xf32>
      %parallel_loop3A_198 = arith.constant 0 : i32
      %parallel_loop3A_199 = arith.index_cast %parallel_loop3A_198 : i32 to index
      %parallel_loop3A_200 = arith.index_cast %parallel_loop3A_28 : i32 to index
      %parallel_loop3A_201 = tpu.vector_load %arg10[%parallel_loop3A_199, %parallel_loop3A_200] {strides = array<i32>} : memref<4x512xf32, #tpu.memory_space<vmem>>, vector<16xf32>,
      tpu.vector_store %arg10[%parallel_loop3A_199, %parallel_loop3A_200], %parallel_loop3A_197 {strides = array<i32>} : memref<4x512xf32, #tpu.memory_space<vmem>>, vector<16xf32>,
      %parallel_loop3A_202 = arith.mulf %parallel_loop3A_172, %parallel_loop3A_170 : vector<16xf32>
      %parallel_loop3A_203 = arith.constant 1 : i32
      %parallel_loop3A_204 = arith.index_cast %parallel_loop3A_203 : i32 to index
      %parallel_loop3A_205 = arith.index_cast %parallel_loop3A_28 : i32 to index
      %parallel_loop3A_206 = tpu.vector_load %arg10[%parallel_loop3A_204, %parallel_loop3A_205] {strides = array<i32>} : memref<4x512xf32, #tpu.memory_space<vmem>>, vector<16xf32>,
      tpu.vector_store %arg10[%parallel_loop3A_204, %parallel_loop3A_205], %parallel_loop3A_202 {strides = array<i32>} : memref<4x512xf32, #tpu.memory_space<vmem>>, vector<16xf32>,
      %parallel_loop3A_207 = arith.mulf %parallel_loop3A_176, %parallel_loop3A_166 : vector<16xf32>
      %parallel_loop3A_208 = arith.constant 2 : i32
      %parallel_loop3A_209 = arith.index_cast %parallel_loop3A_208 : i32 to index
      %parallel_loop3A_210 = arith.index_cast %parallel_loop3A_28 : i32 to index
      %parallel_loop3A_211 = tpu.vector_load %arg10[%parallel_loop3A_209, %parallel_loop3A_210] {strides = array<i32>} : memref<4x512xf32, #tpu.memory_space<vmem>>, vector<16xf32>,
      tpu.vector_store %arg10[%parallel_loop3A_209, %parallel_loop3A_210], %parallel_loop3A_207 {strides = array<i32>} : memref<4x512xf32, #tpu.memory_space<vmem>>, vector<16xf32>,
      %parallel_loop3A_212 = arith.mulf %parallel_loop3A_176, %parallel_loop3A_170 : vector<16xf32>
      %parallel_loop3A_213 = arith.constant 3 : i32
      %parallel_loop3A_214 = arith.index_cast %parallel_loop3A_213 : i32 to index
      %parallel_loop3A_215 = arith.index_cast %parallel_loop3A_28 : i32 to index
      %parallel_loop3A_216 = tpu.vector_load %arg10[%parallel_loop3A_214, %parallel_loop3A_215] {strides = array<i32>} : memref<4x512xf32, #tpu.memory_space<vmem>>, vector<16xf32>,
      tpu.vector_store %arg10[%parallel_loop3A_214, %parallel_loop3A_215], %parallel_loop3A_212 {strides = array<i32>} : memref<4x512xf32, #tpu.memory_space<vmem>>, vector<16xf32>,
    } {sc.loop_unroll_factor = 1 : i64, sc.parallel_access}
    tpu.wait_dma2 semaphore(%arg12 : memref<!tpu.dma_semaphore, #tpu.memory_space<semaphore_mem>>) src(%arg11 : memref<16384xf32, #tpu.memory_space<vmem_shared>>) dst(%arg5 : memref<16384xf32, #tpu.memory_space<vmem>>)
    %parallel_loop3A_25 = arith.constant 0 : i32
    %parallel_loop3A_26 = arith.constant 512 : i32
    %parallel_loop3A_27 = arith.constant 16 : i32
    scf.for %parallel_loop3A_28 = %parallel_loop3A_25 to %parallel_loop3A_26 step %parallel_loop3A_27  : i32 {
      %parallel_loop3A_29 = arith.constant 0 : i32
      %parallel_loop3A_30 = arith.index_cast %parallel_loop3A_29 : i32 to index
      %parallel_loop3A_31 = arith.index_cast %parallel_loop3A_28 : i32 to index
      %parallel_loop3A_32 = tpu.vector_load %arg9[%parallel_loop3A_30, %parallel_loop3A_31] {strides = array<i32>} : memref<4x512xi32, #tpu.memory_space<vmem>>, vector<16xi32>,
      %parallel_loop3A_33 = tpu.vector_load_idx %arg5[%parallel_loop3A_32] : memref<16384xf32, #tpu.memory_space<vmem>>[vector<16xi32>], vector<16xf32>,
      %parallel_loop3A_34 = arith.constant 0 : i32
      %parallel_loop3A_35 = arith.index_cast %parallel_loop3A_34 : i32 to index
      %parallel_loop3A_36 = arith.index_cast %parallel_loop3A_28 : i32 to index
      %parallel_loop3A_37 = tpu.vector_load %arg10[%parallel_loop3A_35, %parallel_loop3A_36] {strides = array<i32>} : memref<4x512xf32, #tpu.memory_space<vmem>>, vector<16xf32>,
      %parallel_loop3A_38 = arith.mulf %parallel_loop3A_33, %parallel_loop3A_37 : vector<16xf32>
      %parallel_loop3A_39 = arith.constant 1 : i32
      %parallel_loop3A_40 = arith.index_cast %parallel_loop3A_39 : i32 to index
      %parallel_loop3A_41 = arith.index_cast %parallel_loop3A_28 : i32 to index
      %parallel_loop3A_42 = tpu.vector_load %arg9[%parallel_loop3A_40, %parallel_loop3A_41] {strides = array<i32>} : memref<4x512xi32, #tpu.memory_space<vmem>>, vector<16xi32>,
      %parallel_loop3A_43 = tpu.vector_load_idx %arg5[%parallel_loop3A_42] : memref<16384xf32, #tpu.memory_space<vmem>>[vector<16xi32>], vector<16xf32>,
      %parallel_loop3A_44 = arith.constant 1 : i32
      %parallel_loop3A_45 = arith.index_cast %parallel_loop3A_44 : i32 to index
      %parallel_loop3A_46 = arith.index_cast %parallel_loop3A_28 : i32 to index
      %parallel_loop3A_47 = tpu.vector_load %arg10[%parallel_loop3A_45, %parallel_loop3A_46] {strides = array<i32>} : memref<4x512xf32, #tpu.memory_space<vmem>>, vector<16xf32>,
      %parallel_loop3A_48 = arith.mulf %parallel_loop3A_43, %parallel_loop3A_47 : vector<16xf32>
      %parallel_loop3A_49 = arith.addf %parallel_loop3A_38, %parallel_loop3A_48 : vector<16xf32>
      %parallel_loop3A_50 = arith.constant 2 : i32
      %parallel_loop3A_51 = arith.index_cast %parallel_loop3A_50 : i32 to index
      %parallel_loop3A_52 = arith.index_cast %parallel_loop3A_28 : i32 to index
      %parallel_loop3A_53 = tpu.vector_load %arg9[%parallel_loop3A_51, %parallel_loop3A_52] {strides = array<i32>} : memref<4x512xi32, #tpu.memory_space<vmem>>, vector<16xi32>,
      %parallel_loop3A_54 = tpu.vector_load_idx %arg5[%parallel_loop3A_53] : memref<16384xf32, #tpu.memory_space<vmem>>[vector<16xi32>], vector<16xf32>,
      %parallel_loop3A_55 = arith.constant 2 : i32
      %parallel_loop3A_56 = arith.index_cast %parallel_loop3A_55 : i32 to index
      %parallel_loop3A_57 = arith.index_cast %parallel_loop3A_28 : i32 to index
      %parallel_loop3A_58 = tpu.vector_load %arg10[%parallel_loop3A_56, %parallel_loop3A_57] {strides = array<i32>} : memref<4x512xf32, #tpu.memory_space<vmem>>, vector<16xf32>,
      %parallel_loop3A_59 = arith.mulf %parallel_loop3A_54, %parallel_loop3A_58 : vector<16xf32>
      %parallel_loop3A_60 = arith.addf %parallel_loop3A_49, %parallel_loop3A_59 : vector<16xf32>
      %parallel_loop3A_61 = arith.constant 3 : i32
      %parallel_loop3A_62 = arith.index_cast %parallel_loop3A_61 : i32 to index
      %parallel_loop3A_63 = arith.index_cast %parallel_loop3A_28 : i32 to index
      %parallel_loop3A_64 = tpu.vector_load %arg9[%parallel_loop3A_62, %parallel_loop3A_63] {strides = array<i32>} : memref<4x512xi32, #tpu.memory_space<vmem>>, vector<16xi32>,
      %parallel_loop3A_65 = tpu.vector_load_idx %arg5[%parallel_loop3A_64] : memref<16384xf32, #tpu.memory_space<vmem>>[vector<16xi32>], vector<16xf32>,
      %parallel_loop3A_66 = arith.constant 3 : i32
      %parallel_loop3A_67 = arith.index_cast %parallel_loop3A_66 : i32 to index
      %parallel_loop3A_68 = arith.index_cast %parallel_loop3A_28 : i32 to index
      %parallel_loop3A_69 = tpu.vector_load %arg10[%parallel_loop3A_67, %parallel_loop3A_68] {strides = array<i32>} : memref<4x512xf32, #tpu.memory_space<vmem>>, vector<16xf32>,
      %parallel_loop3A_70 = arith.mulf %parallel_loop3A_65, %parallel_loop3A_69 : vector<16xf32>
      %parallel_loop3A_71 = arith.addf %parallel_loop3A_60, %parallel_loop3A_70 : vector<16xf32>
      %parallel_loop3A_72 = arith.index_cast %parallel_loop3A_28 : i32 to index
      %parallel_loop3A_73 = tpu.vector_load %arg8[%parallel_loop3A_72] {strides = array<i32>} : memref<512xf32, #tpu.memory_space<vmem>>, vector<16xf32>,
      tpu.vector_store %arg8[%parallel_loop3A_72], %parallel_loop3A_71 {strides = array<i32>} : memref<512xf32, #tpu.memory_space<vmem>>, vector<16xf32>,
    } {sc.loop_unroll_factor = 1 : i64, sc.parallel_access}
    "tpu.region"() ({
      %run_scoped3A = tpu.sem_alloc : memref<!tpu.dma_semaphore, #tpu.memory_space<semaphore_mem>>
      %dma_start3A_28 = tpu.memref_slice %arg4[%mul3A_2] : memref<16384xf32, #tpu.memory_space<hbm>> -> memref<512xf32, #tpu.memory_space<hbm>>
      %dma_start3A_29 = tpu.memref_slice %arg4[%mul3A_2] : memref<16384xf32, #tpu.memory_space<hbm>> -> memref<512xf32, #tpu.memory_space<hbm>>
      tpu.enqueue_dma source(%arg8 : memref<512xf32, #tpu.memory_space<vmem>>) target(%dma_start3A_29 : memref<512xf32, #tpu.memory_space<hbm>>) target_semaphore(%run_scoped3A : memref<!tpu.dma_semaphore, #tpu.memory_space<semaphore_mem>>)
      %dma_wait3A_30 = tpu.memref_slice %arg4[%mul3A_2] : memref<16384xf32, #tpu.memory_space<hbm>> -> memref<512xf32, #tpu.memory_space<hbm>>
      %dma_wait3A_31 = tpu.memref_slice %arg4[%mul3A_2] : memref<16384xf32, #tpu.memory_space<hbm>> -> memref<512xf32, #tpu.memory_space<hbm>>
      tpu.wait_dma2 semaphore(%run_scoped3A : memref<!tpu.dma_semaphore, #tpu.memory_space<semaphore_mem>>) src(%arg8 : memref<512xf32, #tpu.memory_space<vmem>>) dst(%dma_wait3A_31 : memref<512xf32, #tpu.memory_space<hbm>>)
      tpu.yield
    }) : () -> ()
    return
  }
}

</mosaic_0001>

<sc_bundles>
// kernel: kernel.3.cloned.1.call-start
scs
__scs_entry_jumppad:
0x0: {  	(pc) =	sbr.rel $0x88, $3  }
0x1: {  	(tag) =	ssettag $0x0;
	lr =	simm.s32 $0x1  }
0x2: {  	[smem:$0x3F9F] =	sst lr;
	_ =	strace $0xD0000000  }
0x3: {  	_ = 	snop  }
0x4: {  	_ = 	snop  }
0x5: {  	_ = 	snop  }
0x6: {  	_ = 	snop  }
0x7: {  	_ = 	snop  }
__scs_overlays_trampoline_lowered:
0x8: {  	[smem:$0x3FAE] =	sst s0  }
0x9: {  	[smem:$0x3FAF] =	sst s1  }
0xa: {  	[smem:$0x3FB0] =	sst s2  }
0xb: {  	[smem:$0x3FB1] =	sst s3  }
0xc: {  	[smem:$0x3FB2] =	sst s4  }
0xd: {  	[smem:$0x3FB3] =	sst s5  }
0xe: {  	[smem:$0x3FB4] =	sst s6  }
0xf: {  	[smem:$0x3FB5] =	sst s7  }
0x10: {  	[smem:$0x3FB6] =	sst s8  }
0x11: {  	[smem:$0x3FB7] =	sst s9;
	s0 =	simm.s32 @!p0 $0x0  }
0x12: {  	s1 =	sld [smem:$0x3F9D];
	s0 =	simm.s32 @p0 $0x1  }
0x13: {  	[smem:$0x3FB8] =	sst s0;
	s0 =	simm.s32 @!p1 $0x0  }
0x14: {  	s2 =	sld [smem:$0x3F9C];
	s0 =	simm.s32 @p1 $0x1  }
0x15: {  	[smem:$0x3FB9] =	sst s0;
	s0 =	simm.s32 @!p2 $0x0  }
0x16: {  	s3 =	sld [smem:$0x3FDB];
	s0 =	simm.s32 @p2 $0x1  }
0x17: {  	s4 =	simm.s32 $0x1BF5;
	[smem:$0x3FBB] =	sst s0  }
0x18: {  	s0 =	sld [smem:$0x3F9E];
	_ =	swait.ge [sflag:s4], $0x0  }
0x19: {  	s7 =	sld [smem:$0x3F9F]  }
0x1a: {  	s8 =	sadd.s32 $0xFFFFE003, lr  }
0x1b: {  	s9 =	sadd.s32 $0xFFFFFEF7, lr;
	s5 =	simm.s32 $0xFFFFFFFF;
	p2 =	slt.u32 s8, $0xFFFFF086  }
0x1c: {  	p1 =	slt.u32 s9, $0xF7A;
	s5 =	simm.s32 @!p2 $0x0  }
0x1d: {  	s5 =	simm.s32 @p1 $0x1;
	p0 =	seq.s32 s7, s2  }
0x1e: {  	s7 =	smul.u32 @!p0 $0xF7A, s2;
	p2 =	seq.s32 @!p0 s5, $0x0  }
0x1f: {  	s9 =	smul.u32 $0xF7A, s1;
	s8 =	simm.s32 @!p0 $0x1BF5;
	p2 =	por !p2, p0  }
0x20: {  	[sflag:s8] =	ssyncset.s32 @!p0 $0xFFFFF086;
	s6 =	sadd.s32 @!p0 s3, s7;
	s7 =	simm.s32 @!p0 $0x108  }
0x21: {  	s3 =	sadd.s32 s3, s9;
	s6 =	sadd.s32 @!p0 $0x88, s6;
	s7 =	simm.s32 @p2 $0x1082  }
0x22: {  	[simem:s7], [sflag:s8] =	dma.local @!p0 [hbm:s6], $0xF7A  }
0x23: {  	s9 =	sor.u32 $0xD0000000, s2;
	s6 =	simm.s32 $0x108;
	_ =	swait.ge @!p0 [sflag:s8], $0x0  }
0x24: {  	s3 =	sadd.s32 $0x88, s3;
	s6 =	simm.s32 @!p1 $0x1082;
	[sflag:s4] =	ssyncset.s32 $0xFFFFF086  }
0x25: {  	[simem:s6], [sflag:s4] =	dma.local [hbm:s3], $0xF7A  }
0x26: {  	[smem:$0x3F9F] =	sst s1;
	(tag) =	ssettag s2;
	_ =	strace s9  }
0x27: {  	s1 =	sld [smem:$0x3FAF]  }
0x28: {  	s2 =	sld [smem:$0x3FB0]  }
0x29: {  	s4 =	sld [smem:$0x3FB2]  }
0x2a: {  	p0 =	seq.s32 s5, $0x0;
	s5 =	sld [smem:$0x3FB3]  }
0x2b: {  	s6 =	sld [smem:$0x3FB4]  }
0x2c: {  	s7 =	sld [smem:$0x3FB5]  }
0x2d: {  	s3 =	simm.s32 $0x108;
	s8 =	sld [smem:$0x3FB6]  }
0x2e: {  	s3 =	simm.s32 @!p0 $0x1082;
	s9 =	sld [smem:$0x3FB7]  }
0x2f: {  	lr =	sadd.s32 s0, s3;
	s0 =	sld [smem:$0x3FAE]  }
0x30: {  	s3 =	sld [smem:$0x3FB1]  }
0x31: {  	[smem:$0x3FBA] =	sst s10  }
0x32: {  	s10 =	sld [smem:$0x3FB8];
	_ =	sdelay $0x3  }
0x33: {  	p0 =	seq.s32 s10, $0x1;
	s10 =	sld [smem:$0x3FBA];
	_ =	sdelay $0x3  }
0x34: {  	[smem:$0x3FBA] =	sst s10  }
0x35: {  	s10 =	sld [smem:$0x3FB9];
	_ =	sdelay $0x3  }
0x36: {  	p1 =	seq.s32 s10, $0x1;
	s10 =	sld [smem:$0x3FBA];
	_ =	sdelay $0x3  }
0x37: {  	[smem:$0x3FBA] =	sst s10  }
0x38: {  	s10 =	sld [smem:$0x3FBB]  }
0x39: {  	_ = 	snop;
	(pc) =	sbr.ind lr, $3  }
0x3a: {  	_ = 	snop  }
0x3b: {  	_ = 	snop  }
0x3c: {  	p2 =	seq.s32 s10, $0x1;
	s10 =	sld [smem:$0x3FBA]  }
0x3d: {  	_ =	shalt  }
0x3e: {  	_ =	shalt  }
0x3f: {  	_ =	shalt  }
0x40: {  	_ =	shalt  }
0x41: {  	_ =	shalt  }
0x42: {  	_ =	shalt  }
0x43: {  	_ =	shalt  }
0x44: {  	_ =	shalt  }
0x45: {  	_ =	shalt  }
0x46: {  	_ =	shalt  }
0x47: {  	_ =	shalt  }
0x48: {  	_ =	shalt  }
0x49: {  	_ =	shalt  }
0x4a: {  	_ =	shalt  }
0x4b: {  	_ =	shalt  }
0x4c: {  	_ =	shalt  }
0x4d: {  	_ =	shalt  }
0x4e: {  	_ =	shalt  }
0x4f: {  	_ =	shalt  }
0x50: {  	_ =	shalt  }
0x51: {  	_ =	shalt  }
0x52: {  	_ =	shalt  }
0x53: {  	_ =	shalt  }
0x54: {  	_ =	shalt  }
0x55: {  	_ =	shalt  }
0x56: {  	_ =	shalt  }
0x57: {  	_ =	shalt  }
0x58: {  	_ =	shalt  }
0x59: {  	_ =	shalt  }
0x5a: {  	_ =	shalt  }
0x5b: {  	_ =	shalt  }
0x5c: {  	_ =	shalt  }
0x5d: {  	_ =	shalt  }
0x5e: {  	_ =	shalt  }
0x5f: {  	_ =	shalt  }
0x60: {  	_ =	shalt  }
0x61: {  	_ =	shalt  }
0x62: {  	_ =	shalt  }
0x63: {  	_ =	shalt  }
0x64: {  	_ =	shalt  }
0x65: {  	_ =	shalt  }
0x66: {  	_ =	shalt  }
0x67: {  	_ =	shalt  }
0x68: {  	_ =	shalt  }
0x69: {  	_ =	shalt  }
0x6a: {  	_ =	shalt  }
0x6b: {  	_ =	shalt  }
0x6c: {  	_ =	shalt  }
0x6d: {  	_ =	shalt  }
0x6e: {  	_ =	shalt  }
0x6f: {  	_ =	shalt  }
0x70: {  	_ =	shalt  }
0x71: {  	_ =	shalt  }
0x72: {  	_ =	shalt  }
0x73: {  	_ =	shalt  }
0x74: {  	_ =	shalt  }
0x75: {  	_ =	shalt  }
0x76: {  	_ =	shalt  }
0x77: {  	_ =	shalt  }
0x78: {  	_ =	shalt  }
0x79: {  	_ =	shalt  }
0x7a: {  	_ =	shalt  }
0x7b: {  	_ =	shalt  }
0x7c: {  	_ =	shalt  }
0x7d: {  	_ =	shalt  }
0x7e: {  	_ =	shalt  }
0x7f: {  	_ =	shalt  }
0x80: {  	_ =	shalt  }
0x81: {  	_ =	shalt  }
0x82: {  	_ =	shalt  }
0x83: {  	_ =	shalt  }
0x84: {  	_ =	shalt  }
0x85: {  	_ =	shalt  }
0x86: {  	_ =	shalt  }
0x87: {  	_ =	shalt  }
.Lfunc_end0:
.L_simem_size_0:
called_computation_lowered:
.L_overlay_start_0:
0x88: {  	s2 =	sld [smem:$0x3FD9]  }
0x89: {  	s3 =	sld [smem:$0x3FFE];
	_ =	sdelay $0x1  }
0x8a: {  	s1 =	srdreg.scid  }
0x8b: {  	s0 =	sand.u32 $0x1, s1  }
0x8c: {  	s18 =	sshll.u32 s0, $0xA;
	s2 =	sadd.s32 s3, s2  }
0x8d: {  	s2 =	sadd.s32 s2, s18  }
0x8e: {  	[smem:$0x3FC6] =	sst s2  }
0x8f: {  	_ = 	snop  }
0x90: {  	s2 =	sld [smem:$0x3FC9]  }
0x91: {  	s19 =	sld [smem:$0x3FC8]  }
0x92: {  	s4 =	sld [smem:$0x3FD0];
	(tm) =	ssettm $0x1  }
0x93: {  	s5 =	sld [smem:$0x3FFB];
	_ =	sdelay $0x3  }
0x94: {  	_ =	strace s5  }
0x95: {  	s5 =	sld [smem:$0x3FFC];
	_ =	sdelay $0x3  }
0x96: {  	_ =	strace s5  }
0x97: {  	s5 =	sld [smem:$0x3FFD];
	_ =	sdelay $0x3  }
0x98: {  	_ =	strace s5  }
0x99: {  	_ =	strace $0x8FFFFFFF  }
0x9a: {  	s20 =	sld [smem:$0x3FDB];
	_ =	sdelay $0x1  }
0x9b: {  	s6 =	simm.s32 $_scs_section_size  }
0x9c: {  	s7 =	simm.s32 $_size__tile_overlayer_lowered;
	s8 =	simm.s32 $_tile_overlayer_lowered  }
0x9d: {  	s23 =	simm.s32 $0x1BFF;
	s22 =	sshll.u32 s8, $0x1;
	s5 =	sadd.s32 s6, s20  }
0x9e: {  	s9 =	simm.s32 $0x0;
	s21 =	sshll.u32 s7, $0x1;
	s7 =	sadd.s32 s22, s5  }
0x9f: {  	[timem:s9], [sflag:s23] =	dma.local [hbm:s7], s21  }
0xa0: {  	_ =	swait.ge [sflag:s23], s21  }
0xa1: {  	s6 =	ssub.s32 $0x0, s21;
	[sflag:s23] =	ssyncset.done $0x0  }
0xa2: {  	[sflag:s23] =	ssyncadd.s32 s6;
	_ =	sdelay $0x1  }
0xa3: {  	s24 =	simm.s32 $0x1B8B  }
0xa4: {  	_ =	swait.ge [sflag:s24], $0x1  }
0xa5: {  	[sflag:s24] =	ssyncset.done $0x0  }
0xa6: {  	s25 =	simm.s32 $0x1B8E;
	[sflag:s24] =	ssyncadd.s32 $0xFFFFFFFF  }
0xa7: {  	s26 =	simm.s32 $execute0_lowered;
	[smem:$0x3FD2] =	sst s25  }
0xa8: {  	s6 =	sshll.u32 s26, $0x1;
	_ =	strace $0x80000046;
	[dreg:$0x1] =	wrdreg $0xFFFFFFFF  }
0xa9: {  	s28 =	simm.s32 $_size_execute0_lowered;
	s5 =	sadd.s32 s5, s6;
	[dreg:$0x0] =	wrdreg $0x0  }
0xaa: {  	s6 =	sshll.u32 s28, $0x1;
	[dreg:$0x2] =	wrdreg s5  }
0xab: {  	[dreg:$0x3] =	wrdreg s6  }
0xac: {  	[dreg:$0x4] =	wrdreg $0xC0  }
0xad: {  	_ =	task [dreg:s9], $0x5FFFF  }
0xae: {  	[dreg:$0x1] =	wrdreg $0xFFFFFFFF  }
0xaf: {  	[dreg:$0x0] =	wrdreg $0x60  }
0xb0: {  	[dreg:$0x2] =	wrdreg s2  }
0xb1: {  	[dreg:$0x3] =	wrdreg s19  }
0xb2: {  	[dreg:$0x4] =	wrdreg s4  }
0xb3: {  	[dreg:$0x5] =	wrdreg $0x56000  }
0xb4: {  	[dreg:$0x6] =	wrdreg $0x9  }
0xb5: {  	_ =	task.clear_ibuf [dreg:s9], $0x7FFFF;
	_ =	strace $0x90000046  }
0xb6: {  	s29 =	simm.s32 $0x9;
	_ =	strace $0x80000048  }
0xb7: {  	_ =	swait.ge [sflag:s29], $0x1  }
0xb8: {  	[sflag:s29] =	ssyncadd.s32 $0xFFFFFFFF  }
0xb9: {  	_ =	strace $0x90000048  }
0xba: {  	_ =	sfence  }
0xbb: {  	s30 =	sld [smem:$0x0];
	_ =	sdelay $0x2  }
0xbc: {  	s31 =	sshll.u32 s1, $0xD;
	s1 =	sshrl.u32 s1, $0x2  }
0xbd: {  	s3 =	sand.u32 $0x4000, s31;
	s1 =	sadd.s32 s1, s30  }
0xbe: {  	s0 =	sor.u32 s3, s0;
	s1 =	sshll.u32 s1, $0x11  }
0xbf: {  	s0 =	sor.u32 s1, s0  }
0xc0: {  	s0 =	sadd.s32 $0x8F2B, s0  }
0xc1: {  	[sflag:s0] =	ssyncadd.remote.s32 $0x1  }
0xc2: {  	_ =	sfence.sel $0xFFFF  }
0xc3: {  	[dreg:$0x0] =	wrdreg $0xFFFFFFFF;
	(pc) =	sbr.abs _section_cstart, $3  }
0xc4: {  	[dreg:$0x1] =	wrdreg $0xFFFFFFFF  }
0xc5: {  	_ =	task.clear_ibuf [dreg:s9], $0x2FFFF;
	_ =	strace $0x9FFFFFFF  }
0xc6: {  	(tm) =	ssettm $0x7FFFFFFF  }
0xc7: {  	_ =	shalt  }
tec
execute0_lowered:
.L_overlay_start_1:
0x0: {  	(tag) =	ssettag $0x1  }
0x1: {  	s0 =	rddreg [dreg:$0x0]  }
0x2: {  	s4 =	rddreg [dreg:$0x1]  }
0x3: {  	s6 =	rddreg [dreg:$0x2]  }
0x4: {  	s1 =	srdreg.scid;
	s8 =	stileid.u32  }
0x5: {  	s2 =	rddreg [dreg:$0x3];
	s3 =	simm.s32 $0x0;
	s11 =	simm.s32 $0x4400  }
0x6: {  	s12 =	simm.s32 $0x3;
	s5 =	sand.u32 $0x1, s1;
	s7 =	sshll.u32 s8, $0x1  }
0x7: {  	s13 =	simm.s32 $0x0;
	s1 =	rddreg [dreg:$0x4];
	s7 =	sor.u32 s5, s7  }
0x8: {  	[smem:$0x7FF] =	sst s3;
	s9 =	sshll.u32 s7, $0x6;
	s7 =	sshll.u32 s7, $0x2  }
0x9: {  	p0 =	sne.s32 s8, $0x0;
	s5 =	ssub.s32 $0x2, s5;
	_ =	strace $0x80000047;
	v0 =	vmov s7  }
0xa: {  	s8 =	sshrl.u32 @!p0 s2, $0x3;
	s10 =	sshrl.u32 s5, $0x1;
	s4 =	sadd.s32 s4, s9;
	v0 =	vcvt.s32.f32 v0  }
0xb: {  	s10 =	ssub.s32 s5, s10;
	s6 =	sadd.s32 s6, s9;
	s9 =	simm.s32 $0x2  }
0xc: {  	v1 =	vlaneseq.u32;
	v2 =	vimm.s32 $0x0;
	s5 =	sadd.s32 $0x800, s4;
	s7 =	smax.u32 s10, $0x1;
	s10 =	simm.s32 $0x1;
	v0 =	vbroadcast v0, $0x0  }
.LBB2_1:
0xd: {  	s14 =	simm.s32 @p0 $0x0;
	s15 =	simm.s32 @p0 $0x4000  }
0xe: {  	[tilespmem:s15], [sflag:$0x2] =	stream.linear.gather @p0 [hbm4b:s4+s14], $0x200, $0x38;
	[tilespmem:$0x5A00] =	vst v63  }
0xf: {  	s15 =	simm.s32 @p0 $0x4200  }
0x10: {  	[tilespmem:s15], [sflag:$0x2] =	stream.linear.gather @p0 [hbm4b:s5+s14], $0x200, $0x38;
	[tilespmem:$0x5A00] =	vst v63  }
0x11: {  	s14 =	simm.s32 @!p0 $0x1C01  }
0x12: {  	[spmem:s8], [sflag:s14] =	dma.local @!p0 [hbm:s0], $0x800  }
0x13: {  	s15 =	simm.s32 @!p0 $0x4000;
	s14 =	simm.s32 @!p0 $0x0  }
0x14: {  	[tilespmem:s15], [sflag:$0x2] =	stream.linear.gather @!p0 [hbm4b:s4+s14], $0x200, $0x38;
	[tilespmem:$0x5A00] =	vst v63  }
0x15: {  	s15 =	simm.s32 @!p0 $0x4200  }
0x16: {  	[tilespmem:s15], [sflag:$0x2] =	stream.linear.gather @!p0 [hbm4b:s5+s14], $0x200, $0x38;
	[tilespmem:$0x5A00] =	vst v63  }
0x17: {  	s14 =	simm.s32 @!p0 $0x1  }
0x18: {  	_ =	swait.ge @!p0 [sflag:s14], $0x800  }
0x19: {  	[sflag:s14] =	ssyncset.done @!p0 $0x0  }
0x1a: {  	[sflag:s14] =	ssyncadd.s32 @!p0 $0xFFFFF800  }
0x1b: {  	[bflag:$0x0] =	sbarrier.arrive $0xFFFF  }
0x1c: {  	[tilespmem:s3], [sflag:$0x1] =	stream.linear.gather [spmem:s2], $0x4000, $0x38;
	[tilespmem:$0x5A00] =	vst v63  }
0x1d: {  	_ =	swait.ge [sflag:s9], $0x200  }
0x1e: {  	[sflag:s9] =	ssyncset.done $0x0  }
0x1f: {  	[sflag:s9] =	ssyncadd.s32 $0xFFFFFE00  }
0x20: {  	_ =	swait.ge [sflag:s9], $0x200  }
0x21: {  	[sflag:s9] =	ssyncset.done $0x0  }
0x22: {  	s28 =	simm.s32 $0x0;
	[sflag:s9] =	ssyncadd.s32 $0xFFFFFE00  }
0x23: {  	s16 =	simm.s32 $0x0;
	v3 =	vld [tilespmem:s28+$0x4200]  }
0x24: {  	s17 =	sand.u32 $0x70, s16;
	v4 =	vld [tilespmem:s28+$0x4000]  }
0x25: {  	s30 =	simm.s32 $0x1;
	s29 =	sor.u32 $0x1, s17  }
0x26: {  	v6 =	vmov s30;
	v5 =	vadd.s32 s29, v1  }
0x27: {  	v6 =	vcvt.s32.f32 v6;
	v5 =	vcvt.s32.f32 v5;
	_ =	sdelay $0x1  }
0x28: {  	v6 =	vbroadcast v6, $0x0;
	v4 =	vadd.f32 v4, v0;
	v5 =	vadd.f32 v5, v3;
	_ =	sdelay $0x1  }
0x29: {  	s19 =	simm.s32 $0x1;
	v6 =	vadd.f32 v4, v6;
	v4 =	vtrunc.f32 v5  }
0x2a: {  	v7 =	vmov s19;
	v8 =	vcvt.f32.s32 v4;
	vm0 =	vlt.f32 v5, v4  }
0x2b: {  	v4 =	vcvt.s32.f32 v7;
	v9 =	vtrunc.f32 v6;
	v10 =	vsel vm0, $0xFFFFFFFF, v2  }
0x2c: {  	v7 =	vcvt.f32.s32 v9;
	v8 =	vadd.s32 v8, v10;
	vm0 =	vlt.f32 v6, v9  }
0x2d: {  	vm2 =	vgt.s32 v8, $0x0;
	vm1 =	vlt.u32 v8, $0x80;
	v10 =	vadd.s32 $0xFFFFFFFF, v8  }
0x2e: {  	v9 =	vsel vm0, $0xFFFFFFFF, v2;
	v11 =	vadd.s32 $0x1, v8;
	vm0 =	vgt.s32 v10, $0x0  }
0x2f: {  	v8 =	vnsel vm2, $0x0, v8;
	vm2 =	vlt.u32 v10, $0x80;
	v7 =	vadd.s32 v7, v9  }
0x30: {  	vm3 =	vgt.s32 v11, $0x0;
	v13 =	vmin.u32 v8, $0x7F;
	vm4 =	vgt.s32 v7, $0x0  }
0x31: {  	v8 =	vnsel vm0, $0x0, v10;
	vm0 =	vlt.u32 v7, $0x80;
	v9 =	vadd.s32 $0xFFFFFFFF, v7  }
0x32: {  	v10 =	vadd.s32 $0x1, v7;
	v11 =	vnsel vm3, $0x0, v11;
	v7 =	vnsel vm4, $0x0, v7  }
0x33: {  	v8 =	vmin.u32 v8, $0x7F;
	vm3 =	vgt.s32 v10, $0x0;
	vm15 =	vlt.u32 v9, $0x80  }
0x34: {  	v11 =	vmin.u32 v11, $0x81;
	v10 =	vnsel vm3, $0x0, v10;
	vm3 =	vgt.s32 v9, $0x0  }
0x35: {  	v11 =	vcvt.s32.f32 v11;
	v7 =	vmin.u32 v7, $0x7F;
	v9 =	vnsel vm3, $0x0, v9  }
0x36: {  	s15 =	simm.s32 $0x10;
	v10 =	vmin.u32 v10, $0x81;
	v7 =	vshll.u32 v7, $0x7;
	v9 =	vmin.u32 v9, $0x7F  }
0x37: {  	s20 =	sand.u32 $0x600, s3;
	s31 =	simm.s32 $0x10;
	s14 =	sand.u32 $0x70, s15;
	v10 =	vcvt.s32.f32 v10;
	v14 =	vsub.f32 v11, v5;
	v5 =	vshll.u32 v9, $0x7  }
0x38: {  	s19 =	sor.u32 s17, s20;
	s18 =	sor.u32 $0x1, s14;
	v9 =	vor.u32 v8, v7;
	v8 =	vor.u32 v8, v5;
	v15 =	vor.u32 v13, v5;
	v5 =	vld [tilespmem:s31+$0x4200]  }
0x39: {  	v3 =	vadd.s32 s18, v1;
	v6 =	vsub.f32 v10, v6;
	[tilespmem:s19+$0x4600] =	vst v8;
	v8 =	vld [tilespmem:s31+$0x4000]  }
0x3a: {  	s16 =	sor.u32 s20, s16;
	v3 =	vcvt.s32.f32 v3;
	v10 =	vsub.f32 $1.000000000e+00, v14  }
0x3b: {  	s20 =	sor.u32 $0x180, s16;
	[tilespmem:s19+$0x4680] =	vst v9;
	v9 =	vnsel vm2, $0x0, v14;
	v11 =	vnsel vm15, $0x0, v6;
	v12 =	vsub.f32 $1.000000000e+00, v6  }
0x3c: {  	s17 =	simm.s32 $0x40;
	s16 =	simm.s32 $0x10;
	s18 =	simm.s32 $0x40;
	v7 =	vor.u32 v13, v7;
	[tilespmem:s19+$0x4700] =	vst v15;
	v10 =	vnsel vm1, $0x0, v10;
	v6 =	vmul.f32 v11, v9  }
.LBB2_2:
0x3d: {  	s15 =	sadd.s32 $0x10, s15;
	v4 =	vbroadcast v4, $0x0;
	v12 =	vnsel vm0, $0x0, v12;
	[tilespmem:s20+$0x4600] =	vst v7;
	v7 =	vmul.f32 v10, v11  }
0x3e: {  	v11 =	vadd.f32 v3, v5;
	s21 =	sand.u32 $0x70, s15;
	p1 =	slt.u32 s15, $0x1F0;
	v8 =	vadd.f32 v8, v0;
	[tilespmem:s19+$0x4E00] =	vst v6;
	v3 =	vmul.f32 v12, v9  }
0x3f: {  	s22 =	sshrl.u32 s15, $0x7;
	v5 =	vmul.f32 v12, v10;
	s23 =	sor.u32 $0x1, s21;
	[tilespmem:s19+$0x4F00] =	vst v7  }
0x40: {  	s22 =	sadd.s32 $0x1, s22;
	v6 =	vadd.s32 s23, v1;
	v7 =	vadd.f32 v8, v4;
	v4 =	vtrunc.f32 v11;
	[tilespmem:s19+$0x4E80] =	vst v3  }
0x41: {  	v8 =	vmov s22;
	v9 =	vcvt.f32.s32 v4;
	vm0 =	vlt.f32 v11, v4;
	[tilespmem:s20+$0x4E00] =	vst v5  }
0x42: {  	v3 =	vcvt.s32.f32 v6;
	v5 =	vtrunc.f32 v7;
	v6 =	vsel vm0, $0xFFFFFFFF, v2  }
0x43: {  	v4 =	vcvt.s32.f32 v8;
	v8 =	vcvt.f32.s32 v5;
	v6 =	vadd.s32 v9, v6  }
0x44: {  	vm0 =	vlt.f32 v7, v5;
	vm2 =	vgt.s32 v6, $0x0;
	vm1 =	vlt.u32 v6, $0x80  }
0x45: {  	v5 =	vsel vm0, $0xFFFFFFFF, v2;
	v9 =	vadd.s32 $0xFFFFFFFF, v6;
	v10 =	vadd.s32 $0x1, v6  }
0x46: {  	vm0 =	vgt.s32 v9, $0x0;
	v6 =	vnsel vm2, $0x0, v6;
	vm2 =	vlt.u32 v9, $0x80  }
0x47: {  	v5 =	vadd.s32 v8, v5;
	vm3 =	vgt.s32 v10, $0x0;
	v6 =	vmin.u32 v6, $0x7F  }
0x48: {  	vm4 =	vgt.s32 v5, $0x0;
	v8 =	vnsel vm0, $0x0, v9;
	vm0 =	vlt.u32 v5, $0x80  }
0x49: {  	v9 =	vadd.s32 $0xFFFFFFFF, v5;
	v12 =	vadd.s32 $0x1, v5;
	v10 =	vnsel vm3, $0x0, v10  }
0x4a: {  	v5 =	vnsel vm4, $0x0, v5;
	v13 =	vmin.u32 v8, $0x7F;
	vm4 =	vgt.s32 v12, $0x0  }
0x4b: {  	vm3 =	vlt.u32 v9, $0x80;
	v10 =	vmin.u32 v10, $0x81;
	v8 =	vnsel vm4, $0x0, v12  }
0x4c: {  	s18 =	sadd.s32 $0x40, s18;
	vm4 =	vgt.s32 v9, $0x0;
	v10 =	vcvt.s32.f32 v10;
	v8 =	vmin.u32 v8, $0x81  }
0x4d: {  	s19 =	sshra.s32 s18, $0x2;
	v12 =	vmin.u32 v5, $0x7F;
	v9 =	vnsel vm4, $0x0, v9;
	v14 =	vcvt.s32.f32 v8  }
.Ltmp0:
0x4e: {  	s20 =	sand.u32 $0x600, s17;
	s17 =	smov.u32 s18;
	v15 =	vshll.u32 v12, $0x7;
	v9 =	vmin.u32 v9, $0x7F;
	v10 =	vsub.f32 v10, v11;
	v5 =	vld [tilespmem:s19+$0x4200];
	(pc) =	sbr.rel @p1 .LBB2_2-.Ltmp0, $4  }
0x4f: {  	v11 =	vor.u32 v13, v15;
	v9 =	vshll.u32 v9, $0x7;
	v7 =	vsub.f32 v14, v7;
	v8 =	vld [tilespmem:s19+$0x4000];
	s19 =	sor.u32 s14, s20;
	s14 =	smov.u32 s21  }
0x50: {  	v14 =	vsub.f32 $1.000000000e+00, v10;
	v13 =	vor.u32 v13, v9;
	v16 =	vor.u32 v6, v9;
	[tilespmem:s19+$0x4680] =	vst v11  }
0x51: {  	v9 =	vnsel vm2, $0x0, v10;
	v12 =	vsub.f32 $1.000000000e+00, v7;
	s20 =	sor.u32 s20, s16;
	s16 =	smov.u32 s15;
	v11 =	vnsel vm3, $0x0, v7;
	[tilespmem:s19+$0x4600] =	vst v13  }
0x52: {  	v10 =	vnsel vm1, $0x0, v14;
	v7 =	vor.u32 v6, v15;
	s20 =	sor.u32 $0x180, s20;
	v6 =	vmul.f32 v11, v9;
	[tilespmem:s19+$0x4700] =	vst v16  }
0x53: {  	_ = 	snop  }
0x54: {  	v4 =	vbroadcast v4, $0x0;
	v3 =	vadd.f32 v3, v5;
	v8 =	vadd.f32 v8, v0;
	_ =	sdelay $0x1  }
0x55: {  	v5 =	vnsel vm0, $0x0, v12;
	v4 =	vadd.f32 v8, v4;
	v8 =	vtrunc.f32 v3  }
0x56: {  	v11 =	vmul.f32 v10, v11;
	v12 =	vcvt.f32.s32 v8;
	vm8 =	vlt.f32 v3, v8  }
0x57: {  	v8 =	vmul.f32 v5, v9;
	v9 =	vtrunc.f32 v4;
	v13 =	vsel vm8, $0xFFFFFFFF, v2  }
0x58: {  	v5 =	vmul.f32 v5, v10;
	v10 =	vcvt.f32.s32 v9;
	v12 =	vadd.s32 v12, v13  }
0x59: {  	vm1 =	vlt.f32 v4, v9;
	vm2 =	vgt.s32 v12, $0x0;
	vm9 =	vlt.u32 v12, $0x80  }
0x5a: {  	v9 =	vsel vm1, $0xFFFFFFFF, v2;
	v13 =	vadd.s32 $0xFFFFFFFF, v12;
	v14 =	vadd.s32 $0x1, v12  }
0x5b: {  	vm10 =	vgt.s32 v13, $0x0;
	v12 =	vnsel vm2, $0x0, v12;
	vm11 =	vlt.u32 v13, $0x80  }
0x5c: {  	v9 =	vadd.s32 v10, v9;
	vm3 =	vgt.s32 v14, $0x0;
	v10 =	vmin.u32 v12, $0x7F  }
0x5d: {  	vm4 =	vgt.s32 v9, $0x0;
	v12 =	vnsel vm10, $0x0, v13;
	vm12 =	vlt.u32 v9, $0x80  }
0x5e: {  	v13 =	vadd.s32 $0xFFFFFFFF, v9;
	v14 =	vnsel vm3, $0x0, v14;
	v15 =	vadd.s32 $0x1, v9  }
0x5f: {  	v9 =	vnsel vm4, $0x0, v9;
	v12 =	vmin.u32 v12, $0x7F;
	vm13 =	vgt.s32 v15, $0x0  }
0x60: {  	[tilespmem:s20+$0x4600] =	vst v7;
	v14 =	vmin.u32 v14, $0x81;
	vm14 =	vgt.s32 v13, $0x0;
	v7 =	vnsel vm13, $0x0, v15  }
0x61: {  	[tilespmem:s19+$0x4E00] =	vst v6;
	vm15 =	vlt.u32 v13, $0x80;
	v6 =	vmin.u32 v7, $0x81;
	v7 =	vcvt.s32.f32 v14  }
0x62: {  	[tilespmem:s19+$0x4F00] =	vst v11;
	v9 =	vmin.u32 v9, $0x7F;
	v14 =	vnsel vm14, $0x0, v13;
	v6 =	vcvt.s32.f32 v6  }
0x63: {  	s15 =	sand.u32 $0x600, s17;
	[tilespmem:s19+$0x4E80] =	vst v8;
	v9 =	vshll.u32 v9, $0x7;
	v8 =	vmin.u32 v14, $0x7F;
	v3 =	vsub.f32 v7, v3  }
0x64: {  	s14 =	sor.u32 s14, s15;
	[tilespmem:s20+$0x4E00] =	vst v5;
	v5 =	vshll.u32 v8, $0x7;
	v4 =	vsub.f32 v6, v4;
	v6 =	vor.u32 v12, v9  }
0x65: {  	v8 =	vor.u32 v12, v5;
	v5 =	vor.u32 v10, v5;
	v7 =	vsub.f32 $1.000000000e+00, v3;
	[tilespmem:s14+$0x4680] =	vst v6  }
0x66: {  	s15 =	sor.u32 s15, s16;
	v3 =	vnsel vm11, $0x0, v3;
	[tilespmem:s14+$0x4600] =	vst v8;
	v6 =	vnsel vm15, $0x0, v4;
	v4 =	vsub.f32 $1.000000000e+00, v4  }
0x67: {  	s15 =	sor.u32 $0x180, s15;
	[tilespmem:s14+$0x4700] =	vst v5;
	v5 =	vor.u32 v10, v9;
	v7 =	vnsel vm9, $0x0, v7;
	v8 =	vmul.f32 v6, v3  }
0x68: {  	[tilespmem:s15+$0x4600] =	vst v5;
	v4 =	vnsel vm12, $0x0, v4;
	v5 =	vmul.f32 v7, v6  }
0x69: {  	[tilespmem:s14+$0x4E00] =	vst v8;
	v3 =	vmul.f32 v4, v3  }
0x6a: {  	v4 =	vmul.f32 v4, v7;
	[tilespmem:s14+$0x4F00] =	vst v5  }
0x6b: {  	[tilespmem:s14+$0x4E80] =	vst v3  }
0x6c: {  	[tilespmem:s15+$0x4E00] =	vst v4  }
0x6d: {  	s26 =	simm.s32 $0x0;
	s14 =	simm.s32 $0x0;
	_ =	swait.ge [sflag:s10], $0x4000  }
0x6e: {  	s28 =	sand.u32 $0x70, s26;
	s29 =	sand.u32 $0x600, s14;
	[sflag:s10] =	ssyncset.done $0x0  }
0x6f: {  	s16 =	sor.u32 s28, s29;
	[sflag:s10] =	ssyncadd.s32 $0xFFFFC000  }
0x70: {  	v3 =	vld [tilespmem:s16+$0x4600]  }
0x71: {  	v4 =	vld [tilespmem:s16+$0x4680]  }
0x72: {  	s15 =	sor.u32 s29, s26;
	v5 =	vld [tilespmem:s16+$0x4700]  }
0x73: {  	s17 =	sor.u32 $0x180, s15;
	v8 =	vld [tilespmem:s16+$0x4F00]  }
0x74: {  	v6 =	vld [tilespmem:s17+$0x4600]  }
0x75: {  	v9 =	vld [tilespmem:s16+$0x4E00]  }
0x76: {  	v10 =	vld [tilespmem:s16+$0x4E80]  }
0x77: {  	s15 =	simm.s32 $0x10;
	s16 =	simm.s32 $0x40;
	v7 =	vld [tilespmem:s17+$0x4E00]  }
0x78: {  	s18 =	sand.u32 $0x70, s15;
	s30 =	sand.u32 $0x600, s16;
	v11 =	vld.idx.msk [tilespmem:v3+s3+$0x0], $0xffff  }
0x79: {  	s18 =	sor.u32 s18, s30;
	v12 =	vld.idx.msk [tilespmem:v4+s3+$0x0], $0xffff  }
0x7a: {  	v3 =	vld [tilespmem:s18+$0x4600]  }
0x7b: {  	v13 =	vld.idx.msk [tilespmem:v5+s3+$0x0], $0xffff  }
0x7c: {  	v5 =	vld [tilespmem:s18+$0x4680]  }
0x7d: {  	v6 =	vld.idx.msk [tilespmem:v6+s3+$0x0], $0xffff  }
0x7e: {  	s31 =	sor.u32 s30, s15;
	v4 =	vld [tilespmem:s18+$0x4700];
	v11 =	vmul.f32 v9, v11;
	v12 =	vmul.f32 v10, v12  }
0x7f: {  	s19 =	sor.u32 $0x180, s31;
	v10 =	vld [tilespmem:s18+$0x4F00]  }
0x80: {  	v9 =	vld [tilespmem:s19+$0x4600];
	v11 =	vadd.f32 v12, v11;
	v12 =	vmul.f32 v8, v13  }
0x81: {  	s17 =	simm.s32 $0x40;
	v8 =	vld [tilespmem:s18+$0x4E00]  }
.LBB2_4:
0x82: {  	s15 =	sadd.s32 $0x10, s15;
	v13 =	vld [tilespmem:s18+$0x4E80];
	s16 =	sadd.s32 $0x40, s16;
	v11 =	vadd.f32 v12, v11;
	v6 =	vmul.f32 v7, v6  }
0x83: {  	s18 =	sand.u32 $0x70, s15;
	s20 =	sand.u32 $0x600, s16;
	v12 =	vld.idx.msk [tilespmem:v3+s3+$0x0], $0xffff  }
0x84: {  	s18 =	sor.u32 s18, s20;
	v14 =	vld.idx.msk [tilespmem:v5+s3+$0x0], $0xffff;
	v5 =	vadd.f32 v6, v11;
	v15 =	vmov v10  }
0x85: {  	s21 =	sshra.s32 s14, $0x2;
	s14 =	smov.u32 s17;
	p1 =	slt.u32 s15, $0x1F0;
	v3 =	vld [tilespmem:s18+$0x4600]  }
0x86: {  	s17 =	smov.u32 s16;
	v16 =	vld.idx.msk [tilespmem:v4+s3+$0x0], $0xffff;
	[tilespmem:s21+$0x4400] =	vst v5  }
0x87: {  	v5 =	vld [tilespmem:s18+$0x4680]  }
0x88: {  	v6 =	vld.idx.msk [tilespmem:v9+s3+$0x0], $0xffff  }
.Ltmp1:
0x89: {  	v7 =	vld [tilespmem:s19+$0x4E00];
	(pc) =	sbr.rel @p1 .LBB2_4-.Ltmp1, $4  }
0x8a: {  	v8 =	vmul.f32 v8, v12;
	s19 =	sor.u32 s20, s15;
	v11 =	vmul.f32 v13, v14;
	v4 =	vld [tilespmem:s18+$0x4700]  }
0x8b: {  	s19 =	sor.u32 $0x180, s19;
	v10 =	vld [tilespmem:s18+$0x4F00]  }
0x8c: {  	v11 =	vadd.f32 v11, v8;
	v12 =	vmul.f32 v15, v16;
	v9 =	vld [tilespmem:s19+$0x4600]  }
0x8d: {  	v8 =	vld [tilespmem:s18+$0x4E00]  }
0x8e: {  	_ =	sdelay $0x2  }
0x8f: {  	v13 =	vld [tilespmem:s18+$0x4E80]  }
0x90: {  	v3 =	vld.idx.msk [tilespmem:v3+s3+$0x0], $0xffff  }
0x91: {  	v5 =	vld.idx.msk [tilespmem:v5+s3+$0x0], $0xffff;
	_ =	sdelay $0x1  }
0x92: {  	v4 =	vld.idx.msk [tilespmem:v4+s3+$0x0], $0xffff  }
0x93: {  	v14 =	vld [tilespmem:s19+$0x4E00]  }
0x94: {  	v9 =	vld.idx.msk [tilespmem:v9+s3+$0x0], $0xffff  }
0x95: {  	v3 =	vmul.f32 v8, v3;
	v5 =	vmul.f32 v13, v5;
	_ =	sdelay $0x1  }
0x96: {  	v4 =	vmul.f32 v10, v4;
	v3 =	vadd.f32 v5, v3  }
0x97: {  	v62 =	vadd.f32 v12, v11;
	v6 =	vmul.f32 v7, v6  }
0x98: {  	v63 =	vmul.f32 v14, v9;
	v3 =	vadd.f32 v4, v3  }
0x99: {  	v5 =	vadd.f32 v6, v62  }
0x9a: {  	s14 =	sshra.s32 s14, $0x2;
	s13 =	sadd.s32 $0x1, s13;
	v3 =	vadd.f32 v63, v3  }
0x9b: {  	s31 =	sshra.s32 s17, $0x2;
	p1 =	sne.s32 s13, s7;
	[tilespmem:s14+$0x4400] =	vst v5  }
.Ltmp2:
0x9c: {  	[tilespmem:s31+$0x4400] =	vst v3;
	(pc) =	sbr.rel @p1 .LBB2_1-.Ltmp2, $4  }
0x9d: {  	[hbm4b:s6+s3] =	stream.linear.scatter [tilespmem:s11], [sflag:$0x3], $0x200, $0x38;
	[tilespmem:$0x5A00] =	vst v63  }
0x9e: {  	_ =	swait.ge [sflag:s12], $0x200  }
0x9f: {  	[sflag:s12] =	ssyncset.done $0x0  }
0xa0: {  	[sflag:s12] =	ssyncadd.s32 $0xFFFFFE00  }
0xa1: {  	_ =	sfence.sel $0x180000  }
0xa2: {  	[bflag:$0x0] =	sbarrier.arrive $0xFFFF  }
0xa3: {  	_ =	strace $0x90000047  }
0xa4: {  	s0 =	sadd.s32 @!p0 $0x100000, s1;
	[bflag:$0x2] =	sbarrier.arrive $0xFFFF  }
0xa5: {  	[sflag:s0] =	ssyncadd.tile.s32 @!p0 $0x1;
	_ =	shalt  }
.Lfunc_end2:
_tile_overlayer_lowered:
.L_overlay_start_2:
0xa6: {  	(tag) =	ssettag $0x2  }
0xa7: {  	s0 =	rddreg [dreg:$0x0];
	s2 =	stileid.u32  }
0xa8: {  	s1 =	rddreg [dreg:$0x1];
	p0 =	sne.s32 s2, $0x0  }
0xa9: {  	s3 =	rddreg [dreg:$0x2];
	[bflag:$0x3] =	sbarrier.arrive $0xFFFF;
	s2 =	simm.s32 @!p0 $0x1C03  }
0xaa: {  	[timem:s3], [sflag:s2] =	dma.local @!p0 [hbm:s0], s1  }
0xab: {  	s0 =	simm.s32 @!p0 $0x3  }
0xac: {  	_ =	swait.ge @!p0 [sflag:s0], s1  }
0xad: {  	s1 =	ssub.s32 @!p0 $0x0, s1;
	[sflag:s0] =	ssyncset.done @!p0 $0x0  }
0xae: {  	[sflag:s0] =	ssyncadd.s32 @!p0 s1  }
0xaf: {  	[bflag:$0x3] =	sbarrier.arrive $0xFFFF  }
0xb0: {  	_ =	shalt  }

</sc_bundles>
